<compile_context>
chip_gen: v7x
topology: tpu7x:2x2x1
jax: 0.10.2.dev20260603
libtpu: 0.0.44.dev20260713+nightly
codegen_flags: <defaults>
</compile_context>

<pallas_src>
import functools

import jax
import jax.numpy as jnp
from jax import lax
from jax.experimental import pallas as pl
from jax.experimental.pallas import tpu as pltpu
from jax.experimental.pallas import tpu_sc as plsc

NUM_NODES = 100000
NODE_DIM = 128
LAYER_DIM = 64
NUM_LAYER = 8
BATCH = 4096

NC = 2
NS = 16
NW = NC * NS

GB = 2 * BATCH
N_PER_W = GB // NW
CHUNK = 128
N_CHUNKS = N_PER_W // CHUNK


SUB = 64
N_SUB = CHUNK // SUB


def _sc_gather_body(i_hbm, j_hbm, nemb_hbm, out_g_hbm, idx_v, rows_v,
                    isem, gsem, wsem):
  wid = lax.axis_index("s") * NC + lax.axis_index("c")
  base = wid * CHUNK
  st0 = pltpu.async_copy(i_hbm.at[pl.ds(base, CHUNK)], idx_v.at[0], isem)
  st1 = pltpu.async_copy(j_hbm.at[pl.ds(base, CHUNK)], idx_v.at[1], isem)
  st0.wait()
  st1.wait()
  gathers = []
  for h in range(N_CHUNKS):
    for c in range(N_SUB):
      gathers.append(pltpu.async_copy(
          nemb_hbm.at[idx_v.at[h, pl.ds(c * SUB, SUB)]],
          rows_v.at[pl.ds(h * CHUNK + c * SUB, SUB)], gsem))
  writes = []
  for h in range(N_CHUNKS):
    for c in range(N_SUB):
      gathers[h * N_SUB + c].wait()
      writes.append(pltpu.async_copy(
          rows_v.at[pl.ds(h * CHUNK + c * SUB, SUB)],
          out_g_hbm.at[pl.ds(h * BATCH + base + c * SUB, SUB)], wsem))
  for wcp in writes:
    wcp.wait()


@functools.cache
def _sc_gather():
  return pl.kernel(
      _sc_gather_body,
      out_type=jax.ShapeDtypeStruct((GB, NODE_DIM), jnp.float32),
      mesh=plsc.VectorSubcoreMesh(
          core_axis_name="c", subcore_axis_name="s",
          num_cores=NC, num_subcores=NS),
      scratch_types=[
          pltpu.VMEM((N_CHUNKS, CHUNK), jnp.int32),
          pltpu.VMEM((N_PER_W, NODE_DIM), jnp.float32),
          pltpu.SemaphoreType.DMA,
          pltpu.SemaphoreType.DMA,
          pltpu.SemaphoreType.DMA,
      ],
  )


TC_STEPS = 2
TCB = BATCH // TC_STEPS


def _tc_body(gi_ref, gj_ref, l_ref, label_ref, lemb_ref, w_ref, out_ref,
             acc_ref):
  t = pl.program_id(0)
  w = w_ref[...]
  p = jnp.dot(gi_ref[...], w, preferred_element_type=jnp.float32)
  q = jnp.dot(gj_ref[...], w, preferred_element_type=jnp.float32)
  li = l_ref[...]
  oh = (lax.broadcasted_iota(jnp.int32, (TCB, NUM_LAYER), 1)
        == li).astype(jnp.float32)
  lt = jnp.dot(oh, lemb_ref[...], preferred_element_type=jnp.float32)
  part = jnp.sum((lt + p) * (lt + q))

  @pl.when(t == 0)
  def _init():
    acc_ref[0] = part

  @pl.when(jnp.logical_and(t > 0, t < TC_STEPS - 1))
  def _acc():
    acc_ref[0] += part

  @pl.when(t == TC_STEPS - 1)
  def _fini():
    z = label_ref[...] * (acc_ref[0] + part)
    ls = jnp.minimum(z, 0.0) - jnp.log1p(jnp.exp(-jnp.abs(z)))
    out_ref[...] = (-jnp.sum(ls)).reshape(1, 1)


def kernel(i, j, l, label, n_emb, l_emb, w):
  g = _sc_gather()(i.astype(jnp.int32), j.astype(jnp.int32), n_emb)
  out = pl.pallas_call(
      _tc_body,
      grid=(TC_STEPS,),
      in_specs=[
          pl.BlockSpec((TCB, NODE_DIM), lambda t: (t, 0)),
          pl.BlockSpec((TCB, NODE_DIM), lambda t: (t + TC_STEPS, 0)),
          pl.BlockSpec((TCB, 1), lambda t: (t, 0)),
          pl.BlockSpec((BATCH // NODE_DIM, NODE_DIM), lambda t: (0, 0)),
          pl.BlockSpec((NUM_LAYER, LAYER_DIM), lambda t: (0, 0)),
          pl.BlockSpec((NODE_DIM, LAYER_DIM), lambda t: (0, 0)),
      ],
      out_specs=pl.BlockSpec((1, 1), lambda t: (0, 0)),
      out_shape=jax.ShapeDtypeStruct((1, 1), jnp.float32),
      scratch_shapes=[pltpu.SMEM((1,), jnp.float32)],
  )(g, g, l.astype(jnp.int32).reshape(BATCH, 1),
    label.reshape(BATCH // NODE_DIM, NODE_DIM), l_emb, w)
  return out[0, 0]

# --- scband reference (transcript-rebuilt; emitter-appended) ---
"""Pipeline reference for scband-cross-mna-46935402610700 (READ-ONLY COPY).

The authoritative reference and input builder live on the scoring server;
editing this copy changes nothing except your own understanding.
"""

import jax, jax.numpy as jnp
import numpy as np

NUM_NODES = 100000
NODE_DIM = 128
LAYER_DIM = 64
NUM_LAYER = 8
BATCH = 4096


def setup_inputs(seed: int = 0) -> dict:
    key = jax.random.key(seed)
    k1, k2, k3, k4, k5, k6, k7 = jax.random.split(key, 7)
    i = jax.random.randint(k1, (BATCH,), 0, NUM_NODES)
    j = jax.random.randint(k2, (BATCH,), 0, NUM_NODES)
    l = jax.random.randint(k3, (BATCH,), 0, NUM_LAYER)
    label = jax.random.normal(k4, (BATCH,), dtype=jnp.float32)
    initrange = 0.5 / NODE_DIM
    n_emb = jax.random.uniform(k5, (NUM_NODES, NODE_DIM), minval=-initrange, maxval=initrange, dtype=jnp.float32)
    l_emb = jax.random.uniform(k6, (NUM_LAYER, LAYER_DIM), minval=-1.0, maxval=1.0, dtype=jnp.float32)
    w = jax.random.normal(k7, (NODE_DIM, LAYER_DIM), dtype=jnp.float32)
    return {"i": i, "j": j, "l": l, "label": label, "n_emb": n_emb, "l_emb": l_emb, "w": w}


def reference(i, j, l, label, n_emb, l_emb, w):
    n_i = jnp.take(n_emb, i, axis=0)
    n_j = jnp.take(n_emb, j, axis=0)
    l_tmp = jnp.take(l_emb, l, axis=0)
    l_i = l_tmp + jnp.matmul(n_i, w)
    l_j = l_tmp + jnp.matmul(n_j, w)
    loss = jnp.sum(l_i * l_j)
    loss = -jnp.sum(jax.nn.log_sigmoid(label * loss))
    return loss

if __name__ == "__main__":
    import jax
    _d = setup_inputs()
    print(jax.jit(kernel)(*tuple(_d.values())))

</pallas_src>

<mosaic_0001>
#map = affine_map<(d0, d1) -> (0)>
#map1 = affine_map<(d0, d1) -> (0, 0)>
module attributes {stable_mosaic.version = 14 : i64} {
  func.func @_sc_gather_body(%arg0: i32, %arg1: i32, %arg2: memref<4096xi32, #tpu.memory_space<hbm>>, %arg3: memref<4096xi32, #tpu.memory_space<hbm>>, %arg4: memref<100000x128xf32, #tpu.memory_space<hbm>>, %arg5: memref<8192x128xf32, #tpu.memory_space<hbm>>, %arg6: memref<2x128xi32, #tpu.memory_space<vmem>>, %arg7: memref<256x128xf32, #tpu.memory_space<vmem>>, %arg8: memref<!tpu.dma_semaphore, #tpu.memory_space<semaphore_mem>>, %arg9: memref<!tpu.dma_semaphore, #tpu.memory_space<semaphore_mem>>, %arg10: memref<!tpu.dma_semaphore, #tpu.memory_space<semaphore_mem>>) attributes {dimension_semantics = [#tpu.dimension_semantics<core_parallel>, #tpu.dimension_semantics<subcore_parallel>], iteration_bounds = array<i64: 2, 16>, scalar_prefetch = 0 : i64, scratch_operands = 5 : i64, tpu.core_type = #tpu.core_type<sc_vector_subcore>, window_params = [{transform_indices = #map}, {transform_indices = #map}, {transform_indices = #map1}, {transform_indices = #map1}]} {
    %mul3A = arith.constant 2 : i32
    %mul3A_0 = arith.muli %arg1, %mul3A : i32
    %add3A = arith.addi %mul3A_0, %arg0 : i32
    %mul3A_1 = arith.constant 128 : i32
    %mul3A_2 = arith.muli %add3A, %mul3A_1 : i32
    %dma_start3A = arith.constant 0 : i32
    %dma_start3A_3 = arith.constant 0 : i32
    %dma_start3A_4 = tpu.memref_slice %arg6[%dma_start3A, %dma_start3A_3] : memref<2x128xi32, #tpu.memory_space<vmem>> -> memref<1x128xi32, #tpu.memory_space<vmem>>
    %dma_start3A_5 = tpu.memref_squeeze %dma_start3A_4 : memref<1x128xi32, #tpu.memory_space<vmem>> -> memref<128xi32, #tpu.memory_space<vmem>>
    %dma_start3A_6 = tpu.memref_slice %arg2[%mul3A_2] : memref<4096xi32, #tpu.memory_space<hbm>> -> memref<128xi32, #tpu.memory_space<hbm>>
    %dma_start3A_7 = arith.constant 0 : i32
    %dma_start3A_8 = tpu.memref_slice %arg6[%dma_start3A, %dma_start3A_7] : memref<2x128xi32, #tpu.memory_space<vmem>> -> memref<1x128xi32, #tpu.memory_space<vmem>>
    %dma_start3A_9 = tpu.memref_squeeze %dma_start3A_8 : memref<1x128xi32, #tpu.memory_space<vmem>> -> memref<128xi32, #tpu.memory_space<vmem>>
    %dma_start3A_10 = tpu.memref_slice %arg2[%mul3A_2] : memref<4096xi32, #tpu.memory_space<hbm>> -> memref<128xi32, #tpu.memory_space<hbm>>
    tpu.enqueue_dma source(%dma_start3A_10 : memref<128xi32, #tpu.memory_space<hbm>>) target(%dma_start3A_9 : memref<128xi32, #tpu.memory_space<vmem>>) target_semaphore(%arg8 : memref<!tpu.dma_semaphore, #tpu.memory_space<semaphore_mem>>)
    %dma_start3A_11 = arith.constant 1 : i32
    %dma_start3A_12 = arith.constant 0 : i32
    %dma_start3A_13 = tpu.memref_slice %arg6[%dma_start3A_11, %dma_start3A_12] : memref<2x128xi32, #tpu.memory_space<vmem>> -> memref<1x128xi32, #tpu.memory_space<vmem>>
    %dma_start3A_14 = tpu.memref_squeeze %dma_start3A_13 : memref<1x128xi32, #tpu.memory_space<vmem>> -> memref<128xi32, #tpu.memory_space<vmem>>
    %dma_start3A_15 = tpu.memref_slice %arg3[%mul3A_2] : memref<4096xi32, #tpu.memory_space<hbm>> -> memref<128xi32, #tpu.memory_space<hbm>>
    %dma_start3A_16 = arith.constant 0 : i32
    %dma_start3A_17 = tpu.memref_slice %arg6[%dma_start3A_11, %dma_start3A_16] : memref<2x128xi32, #tpu.memory_space<vmem>> -> memref<1x128xi32, #tpu.memory_space<vmem>>
    %dma_start3A_18 = tpu.memref_squeeze %dma_start3A_17 : memref<1x128xi32, #tpu.memory_space<vmem>> -> memref<128xi32, #tpu.memory_space<vmem>>
    %dma_start3A_19 = tpu.memref_slice %arg3[%mul3A_2] : memref<4096xi32, #tpu.memory_space<hbm>> -> memref<128xi32, #tpu.memory_space<hbm>>
    tpu.enqueue_dma source(%dma_start3A_19 : memref<128xi32, #tpu.memory_space<hbm>>) target(%dma_start3A_18 : memref<128xi32, #tpu.memory_space<vmem>>) target_semaphore(%arg8 : memref<!tpu.dma_semaphore, #tpu.memory_space<semaphore_mem>>)
    %dma_wait3A = arith.constant 0 : i32
    %dma_wait3A_20 = arith.constant 0 : i32
    %dma_wait3A_21 = tpu.memref_slice %arg6[%dma_wait3A, %dma_wait3A_20] : memref<2x128xi32, #tpu.memory_space<vmem>> -> memref<1x128xi32, #tpu.memory_space<vmem>>
    %dma_wait3A_22 = tpu.memref_squeeze %dma_wait3A_21 : memref<1x128xi32, #tpu.memory_space<vmem>> -> memref<128xi32, #tpu.memory_space<vmem>>
    %dma_wait3A_23 = tpu.memref_slice %arg2[%mul3A_2] : memref<4096xi32, #tpu.memory_space<hbm>> -> memref<128xi32, #tpu.memory_space<hbm>>
    %dma_wait3A_24 = arith.constant 0 : i32
    %dma_wait3A_25 = tpu.memref_slice %arg6[%dma_wait3A, %dma_wait3A_24] : memref<2x128xi32, #tpu.memory_space<vmem>> -> memref<1x128xi32, #tpu.memory_space<vmem>>
    %dma_wait3A_26 = tpu.memref_squeeze %dma_wait3A_25 : memref<1x128xi32, #tpu.memory_space<vmem>> -> memref<128xi32, #tpu.memory_space<vmem>>
    %dma_wait3A_27 = tpu.memref_slice %arg2[%mul3A_2] : memref<4096xi32, #tpu.memory_space<hbm>> -> memref<128xi32, #tpu.memory_space<hbm>>
    tpu.wait_dma2 semaphore(%arg8 : memref<!tpu.dma_semaphore, #tpu.memory_space<semaphore_mem>>) src(%dma_wait3A_27 : memref<128xi32, #tpu.memory_space<hbm>>) dst(%dma_wait3A_26 : memref<128xi32, #tpu.memory_space<vmem>>)
    %dma_wait3A_28 = arith.constant 1 : i32
    %dma_wait3A_29 = arith.constant 0 : i32
    %dma_wait3A_30 = tpu.memref_slice %arg6[%dma_wait3A_28, %dma_wait3A_29] : memref<2x128xi32, #tpu.memory_space<vmem>> -> memref<1x128xi32, #tpu.memory_space<vmem>>
    %dma_wait3A_31 = tpu.memref_squeeze %dma_wait3A_30 : memref<1x128xi32, #tpu.memory_space<vmem>> -> memref<128xi32, #tpu.memory_space<vmem>>
    %dma_wait3A_32 = tpu.memref_slice %arg3[%mul3A_2] : memref<4096xi32, #tpu.memory_space<hbm>> -> memref<128xi32, #tpu.memory_space<hbm>>
    %dma_wait3A_33 = arith.constant 0 : i32
    %dma_wait3A_34 = tpu.memref_slice %arg6[%dma_wait3A_28, %dma_wait3A_33] : memref<2x128xi32, #tpu.memory_space<vmem>> -> memref<1x128xi32, #tpu.memory_space<vmem>>
    %dma_wait3A_35 = tpu.memref_squeeze %dma_wait3A_34 : memref<1x128xi32, #tpu.memory_space<vmem>> -> memref<128xi32, #tpu.memory_space<vmem>>
    %dma_wait3A_36 = tpu.memref_slice %arg3[%mul3A_2] : memref<4096xi32, #tpu.memory_space<hbm>> -> memref<128xi32, #tpu.memory_space<hbm>>
    tpu.wait_dma2 semaphore(%arg8 : memref<!tpu.dma_semaphore, #tpu.memory_space<semaphore_mem>>) src(%dma_wait3A_36 : memref<128xi32, #tpu.memory_space<hbm>>) dst(%dma_wait3A_35 : memref<128xi32, #tpu.memory_space<vmem>>)
    %dma_start3A_37 = arith.constant 0 : i32
    %dma_start3A_38 = arith.constant 0 : i32
    %dma_start3A_39 = arith.constant 0 : i32
    %dma_start3A_40 = tpu.memref_slice %arg7[%dma_start3A_38, %dma_start3A_39] : memref<256x128xf32, #tpu.memory_space<vmem>> -> memref<64x128xf32, #tpu.memory_space<vmem>>
    %dma_start3A_41 = arith.constant 0 : i32
    %dma_start3A_42 = tpu.memref_slice %arg6[%dma_start3A_37, %dma_start3A_41] : memref<2x128xi32, #tpu.memory_space<vmem>> -> memref<1x64xi32, #tpu.memory_space<vmem>>
    %dma_start3A_43 = tpu.memref_squeeze %dma_start3A_42 : memref<1x64xi32, #tpu.memory_space<vmem>> -> memref<64xi32, #tpu.memory_space<vmem>>
    %dma_start3A_44 = arith.constant 0 : i32
    %dma_start3A_45 = arith.constant 0 : i32
    %dma_start3A_46 = tpu.memref_slice %arg4[%dma_start3A_44, %dma_start3A_45] : memref<100000x128xf32, #tpu.memory_space<hbm>> -> memref<100000x128xf32, #tpu.memory_space<hbm>>
    tpu.enqueue_indirect_dma source(%dma_start3A_46 : memref<100000x128xf32, #tpu.memory_space<hbm>>) target(%dma_start3A_40 : memref<64x128xf32, #tpu.memory_space<vmem>>) offsets(%dma_start3A_43 : memref<64xi32, #tpu.memory_space<vmem>>) semaphore(%arg9 : memref<!tpu.dma_semaphore, #tpu.memory_space<semaphore_mem>>)
    %dma_start3A_47 = arith.constant 0 : i32
    %dma_start3A_48 = arith.constant 64 : i32
    %dma_start3A_49 = arith.constant 0 : i32
    %dma_start3A_50 = tpu.memref_slice %arg7[%dma_start3A_48, %dma_start3A_49] : memref<256x128xf32, #tpu.memory_space<vmem>> -> memref<64x128xf32, #tpu.memory_space<vmem>>
    %dma_start3A_51 = arith.constant 64 : i32
    %dma_start3A_52 = tpu.memref_slice %arg6[%dma_start3A_47, %dma_start3A_51] : memref<2x128xi32, #tpu.memory_space<vmem>> -> memref<1x64xi32, #tpu.memory_space<vmem>>
    %dma_start3A_53 = tpu.memref_squeeze %dma_start3A_52 : memref<1x64xi32, #tpu.memory_space<vmem>> -> memref<64xi32, #tpu.memory_space<vmem>>
    %dma_start3A_54 = arith.constant 0 : i32
    %dma_start3A_55 = arith.constant 0 : i32
    %dma_start3A_56 = tpu.memref_slice %arg4[%dma_start3A_54, %dma_start3A_55] : memref<100000x128xf32, #tpu.memory_space<hbm>> -> memref<100000x128xf32, #tpu.memory_space<hbm>>
    tpu.enqueue_indirect_dma source(%dma_start3A_56 : memref<100000x128xf32, #tpu.memory_space<hbm>>) target(%dma_start3A_50 : memref<64x128xf32, #tpu.memory_space<vmem>>) offsets(%dma_start3A_53 : memref<64xi32, #tpu.memory_space<vmem>>) semaphore(%arg9 : memref<!tpu.dma_semaphore, #tpu.memory_space<semaphore_mem>>)
    %dma_start3A_57 = arith.constant 1 : i32
    %dma_start3A_58 = arith.constant 128 : i32
    %dma_start3A_59 = arith.constant 0 : i32
    %dma_start3A_60 = tpu.memref_slice %arg7[%dma_start3A_58, %dma_start3A_59] : memref<256x128xf32, #tpu.memory_space<vmem>> -> memref<64x128xf32, #tpu.memory_space<vmem>>
    %dma_start3A_61 = arith.constant 0 : i32
    %dma_start3A_62 = tpu.memref_slice %arg6[%dma_start3A_57, %dma_start3A_61] : memref<2x128xi32, #tpu.memory_space<vmem>> -> memref<1x64xi32, #tpu.memory_space<vmem>>
    %dma_start3A_63 = tpu.memref_squeeze %dma_start3A_62 : memref<1x64xi32, #tpu.memory_space<vmem>> -> memref<64xi32, #tpu.memory_space<vmem>>
    %dma_start3A_64 = arith.constant 0 : i32
    %dma_start3A_65 = arith.constant 0 : i32
    %dma_start3A_66 = tpu.memref_slice %arg4[%dma_start3A_64, %dma_start3A_65] : memref<100000x128xf32, #tpu.memory_space<hbm>> -> memref<100000x128xf32, #tpu.memory_space<hbm>>
    tpu.enqueue_indirect_dma source(%dma_start3A_66 : memref<100000x128xf32, #tpu.memory_space<hbm>>) target(%dma_start3A_60 : memref<64x128xf32, #tpu.memory_space<vmem>>) offsets(%dma_start3A_63 : memref<64xi32, #tpu.memory_space<vmem>>) semaphore(%arg9 : memref<!tpu.dma_semaphore, #tpu.memory_space<semaphore_mem>>)
    %dma_start3A_67 = arith.constant 1 : i32
    %dma_start3A_68 = arith.constant 192 : i32
    %dma_start3A_69 = arith.constant 0 : i32
    %dma_start3A_70 = tpu.memref_slice %arg7[%dma_start3A_68, %dma_start3A_69] : memref<256x128xf32, #tpu.memory_space<vmem>> -> memref<64x128xf32, #tpu.memory_space<vmem>>
    %dma_start3A_71 = arith.constant 64 : i32
    %dma_start3A_72 = tpu.memref_slice %arg6[%dma_start3A_67, %dma_start3A_71] : memref<2x128xi32, #tpu.memory_space<vmem>> -> memref<1x64xi32, #tpu.memory_space<vmem>>
    %dma_start3A_73 = tpu.memref_squeeze %dma_start3A_72 : memref<1x64xi32, #tpu.memory_space<vmem>> -> memref<64xi32, #tpu.memory_space<vmem>>
    %dma_start3A_74 = arith.constant 0 : i32
    %dma_start3A_75 = arith.constant 0 : i32
    %dma_start3A_76 = tpu.memref_slice %arg4[%dma_start3A_74, %dma_start3A_75] : memref<100000x128xf32, #tpu.memory_space<hbm>> -> memref<100000x128xf32, #tpu.memory_space<hbm>>
    tpu.enqueue_indirect_dma source(%dma_start3A_76 : memref<100000x128xf32, #tpu.memory_space<hbm>>) target(%dma_start3A_70 : memref<64x128xf32, #tpu.memory_space<vmem>>) offsets(%dma_start3A_73 : memref<64xi32, #tpu.memory_space<vmem>>) semaphore(%arg9 : memref<!tpu.dma_semaphore, #tpu.memory_space<semaphore_mem>>)
    %dma_wait3A_77 = arith.constant 0 : i32
    %dma_wait3A_78 = arith.constant 0 : i32
    %dma_wait3A_79 = arith.constant 0 : i32
    %dma_wait3A_80 = tpu.memref_slice %arg7[%dma_wait3A_78, %dma_wait3A_79] : memref<256x128xf32, #tpu.memory_space<vmem>> -> memref<64x128xf32, #tpu.memory_space<vmem>>
    %dma_wait3A_81 = arith.constant 0 : i32
    %dma_wait3A_82 = tpu.memref_slice %arg6[%dma_wait3A_77, %dma_wait3A_81] : memref<2x128xi32, #tpu.memory_space<vmem>> -> memref<1x64xi32, #tpu.memory_space<vmem>>
    %dma_wait3A_83 = tpu.memref_squeeze %dma_wait3A_82 : memref<1x64xi32, #tpu.memory_space<vmem>> -> memref<64xi32, #tpu.memory_space<vmem>>
    %dma_wait3A_84 = arith.constant 0 : i32
    %dma_wait3A_85 = arith.constant 0 : i32
    %dma_wait3A_86 = tpu.memref_slice %arg4[%dma_wait3A_84, %dma_wait3A_85] : memref<100000x128xf32, #tpu.memory_space<hbm>> -> memref<100000x128xf32, #tpu.memory_space<hbm>>
    tpu.wait_indirect_dma semaphore(%arg9 : memref<!tpu.dma_semaphore, #tpu.memory_space<semaphore_mem>>) src(%dma_wait3A_86 : memref<100000x128xf32, #tpu.memory_space<hbm>>) dst(%dma_wait3A_80 : memref<64x128xf32, #tpu.memory_space<vmem>>)
    %add3A_87 = arith.constant 0 : i32
    %add3A_88 = arith.addi %add3A_87, %mul3A_2 : i32
    %add3A_89 = arith.constant 0 : i32
    %add3A_90 = arith.addi %add3A_88, %add3A_89 : i32
    %dma_start3A_91 = arith.constant 0 : i32
    %dma_start3A_92 = arith.constant 0 : i32
    %dma_start3A_93 = tpu.memref_slice %arg7[%dma_start3A_91, %dma_start3A_92] : memref<256x128xf32, #tpu.memory_space<vmem>> -> memref<64x128xf32, #tpu.memory_space<vmem>>
    %dma_start3A_94 = arith.constant 0 : i32
    %dma_start3A_95 = tpu.memref_slice %arg5[%add3A_90, %dma_start3A_94] : memref<8192x128xf32, #tpu.memory_space<hbm>> -> memref<64x128xf32, #tpu.memory_space<hbm>>
    %dma_start3A_96 = arith.constant 0 : i32
    %dma_start3A_97 = tpu.memref_slice %arg5[%add3A_90, %dma_start3A_96] : memref<8192x128xf32, #tpu.memory_space<hbm>> -> memref<64x128xf32, #tpu.memory_space<hbm>>
    %dma_start3A_98 = arith.constant 0 : i32
    %dma_start3A_99 = arith.constant 0 : i32
    %dma_start3A_100 = tpu.memref_slice %arg7[%dma_start3A_98, %dma_start3A_99] : memref<256x128xf32, #tpu.memory_space<vmem>> -> memref<64x128xf32, #tpu.memory_space<vmem>>
    tpu.enqueue_dma source(%dma_start3A_100 : memref<64x128xf32, #tpu.memory_space<vmem>>) target(%dma_start3A_97 : memref<64x128xf32, #tpu.memory_space<hbm>>) target_semaphore(%arg10 : memref<!tpu.dma_semaphore, #tpu.memory_space<semaphore_mem>>)
    %dma_wait3A_101 = arith.constant 0 : i32
    %dma_wait3A_102 = arith.constant 64 : i32
    %dma_wait3A_103 = arith.constant 0 : i32
    %dma_wait3A_104 = tpu.memref_slice %arg7[%dma_wait3A_102, %dma_wait3A_103] : memref<256x128xf32, #tpu.memory_space<vmem>> -> memref<64x128xf32, #tpu.memory_space<vmem>>
    %dma_wait3A_105 = arith.constant 64 : i32
    %dma_wait3A_106 = tpu.memref_slice %arg6[%dma_wait3A_101, %dma_wait3A_105] : memref<2x128xi32, #tpu.memory_space<vmem>> -> memref<1x64xi32, #tpu.memory_space<vmem>>
    %dma_wait3A_107 = tpu.memref_squeeze %dma_wait3A_106 : memref<1x64xi32, #tpu.memory_space<vmem>> -> memref<64xi32, #tpu.memory_space<vmem>>
    %dma_wait3A_108 = arith.constant 0 : i32
    %dma_wait3A_109 = arith.constant 0 : i32
    %dma_wait3A_110 = tpu.memref_slice %arg4[%dma_wait3A_108, %dma_wait3A_109] : memref<100000x128xf32, #tpu.memory_space<hbm>> -> memref<100000x128xf32, #tpu.memory_space<hbm>>
    tpu.wait_indirect_dma semaphore(%arg9 : memref<!tpu.dma_semaphore, #tpu.memory_space<semaphore_mem>>) src(%dma_wait3A_110 : memref<100000x128xf32, #tpu.memory_space<hbm>>) dst(%dma_wait3A_104 : memref<64x128xf32, #tpu.memory_space<vmem>>)
    %add3A_111 = arith.constant 0 : i32
    %add3A_112 = arith.addi %add3A_111, %mul3A_2 : i32
    %add3A_113 = arith.constant 64 : i32
    %add3A_114 = arith.addi %add3A_112, %add3A_113 : i32
    %dma_start3A_115 = arith.constant 64 : i32
    %dma_start3A_116 = arith.constant 0 : i32
    %dma_start3A_117 = tpu.memref_slice %arg7[%dma_start3A_115, %dma_start3A_116] : memref<256x128xf32, #tpu.memory_space<vmem>> -> memref<64x128xf32, #tpu.memory_space<vmem>>
    %dma_start3A_118 = arith.constant 0 : i32
    %dma_start3A_119 = tpu.memref_slice %arg5[%add3A_114, %dma_start3A_118] : memref<8192x128xf32, #tpu.memory_space<hbm>> -> memref<64x128xf32, #tpu.memory_space<hbm>>
    %dma_start3A_120 = arith.constant 0 : i32
    %dma_start3A_121 = tpu.memref_slice %arg5[%add3A_114, %dma_start3A_120] : memref<8192x128xf32, #tpu.memory_space<hbm>> -> memref<64x128xf32, #tpu.memory_space<hbm>>
    %dma_start3A_122 = arith.constant 64 : i32
    %dma_start3A_123 = arith.constant 0 : i32
    %dma_start3A_124 = tpu.memref_slice %arg7[%dma_start3A_122, %dma_start3A_123] : memref<256x128xf32, #tpu.memory_space<vmem>> -> memref<64x128xf32, #tpu.memory_space<vmem>>
    tpu.enqueue_dma source(%dma_start3A_124 : memref<64x128xf32, #tpu.memory_space<vmem>>) target(%dma_start3A_121 : memref<64x128xf32, #tpu.memory_space<hbm>>) target_semaphore(%arg10 : memref<!tpu.dma_semaphore, #tpu.memory_space<semaphore_mem>>)
    %dma_wait3A_125 = arith.constant 1 : i32
    %dma_wait3A_126 = arith.constant 128 : i32
    %dma_wait3A_127 = arith.constant 0 : i32
    %dma_wait3A_128 = tpu.memref_slice %arg7[%dma_wait3A_126, %dma_wait3A_127] : memref<256x128xf32, #tpu.memory_space<vmem>> -> memref<64x128xf32, #tpu.memory_space<vmem>>
    %dma_wait3A_129 = arith.constant 0 : i32
    %dma_wait3A_130 = tpu.memref_slice %arg6[%dma_wait3A_125, %dma_wait3A_129] : memref<2x128xi32, #tpu.memory_space<vmem>> -> memref<1x64xi32, #tpu.memory_space<vmem>>
    %dma_wait3A_131 = tpu.memref_squeeze %dma_wait3A_130 : memref<1x64xi32, #tpu.memory_space<vmem>> -> memref<64xi32, #tpu.memory_space<vmem>>
    %dma_wait3A_132 = arith.constant 0 : i32
    %dma_wait3A_133 = arith.constant 0 : i32
    %dma_wait3A_134 = tpu.memref_slice %arg4[%dma_wait3A_132, %dma_wait3A_133] : memref<100000x128xf32, #tpu.memory_space<hbm>> -> memref<100000x128xf32, #tpu.memory_space<hbm>>
    tpu.wait_indirect_dma semaphore(%arg9 : memref<!tpu.dma_semaphore, #tpu.memory_space<semaphore_mem>>) src(%dma_wait3A_134 : memref<100000x128xf32, #tpu.memory_space<hbm>>) dst(%dma_wait3A_128 : memref<64x128xf32, #tpu.memory_space<vmem>>)
    %add3A_135 = arith.constant 4096 : i32
    %add3A_136 = arith.addi %add3A_135, %mul3A_2 : i32
    %add3A_137 = arith.constant 0 : i32
    %add3A_138 = arith.addi %add3A_136, %add3A_137 : i32
    %dma_start3A_139 = arith.constant 128 : i32
    %dma_start3A_140 = arith.constant 0 : i32
    %dma_start3A_141 = tpu.memref_slice %arg7[%dma_start3A_139, %dma_start3A_140] : memref<256x128xf32, #tpu.memory_space<vmem>> -> memref<64x128xf32, #tpu.memory_space<vmem>>
    %dma_start3A_142 = arith.constant 0 : i32
    %dma_start3A_143 = tpu.memref_slice %arg5[%add3A_138, %dma_start3A_142] : memref<8192x128xf32, #tpu.memory_space<hbm>> -> memref<64x128xf32, #tpu.memory_space<hbm>>
    %dma_start3A_144 = arith.constant 0 : i32
    %dma_start3A_145 = tpu.memref_slice %arg5[%add3A_138, %dma_start3A_144] : memref<8192x128xf32, #tpu.memory_space<hbm>> -> memref<64x128xf32, #tpu.memory_space<hbm>>
    %dma_start3A_146 = arith.constant 128 : i32
    %dma_start3A_147 = arith.constant 0 : i32
    %dma_start3A_148 = tpu.memref_slice %arg7[%dma_start3A_146, %dma_start3A_147] : memref<256x128xf32, #tpu.memory_space<vmem>> -> memref<64x128xf32, #tpu.memory_space<vmem>>
    tpu.enqueue_dma source(%dma_start3A_148 : memref<64x128xf32, #tpu.memory_space<vmem>>) target(%dma_start3A_145 : memref<64x128xf32, #tpu.memory_space<hbm>>) target_semaphore(%arg10 : memref<!tpu.dma_semaphore, #tpu.memory_space<semaphore_mem>>)
    %dma_wait3A_149 = arith.constant 1 : i32
    %dma_wait3A_150 = arith.constant 192 : i32
    %dma_wait3A_151 = arith.constant 0 : i32
    %dma_wait3A_152 = tpu.memref_slice %arg7[%dma_wait3A_150, %dma_wait3A_151] : memref<256x128xf32, #tpu.memory_space<vmem>> -> memref<64x128xf32, #tpu.memory_space<vmem>>
    %dma_wait3A_153 = arith.constant 64 : i32
    %dma_wait3A_154 = tpu.memref_slice %arg6[%dma_wait3A_149, %dma_wait3A_153] : memref<2x128xi32, #tpu.memory_space<vmem>> -> memref<1x64xi32, #tpu.memory_space<vmem>>
    %dma_wait3A_155 = tpu.memref_squeeze %dma_wait3A_154 : memref<1x64xi32, #tpu.memory_space<vmem>> -> memref<64xi32, #tpu.memory_space<vmem>>
    %dma_wait3A_156 = arith.constant 0 : i32
    %dma_wait3A_157 = arith.constant 0 : i32
    %dma_wait3A_158 = tpu.memref_slice %arg4[%dma_wait3A_156, %dma_wait3A_157] : memref<100000x128xf32, #tpu.memory_space<hbm>> -> memref<100000x128xf32, #tpu.memory_space<hbm>>
    tpu.wait_indirect_dma semaphore(%arg9 : memref<!tpu.dma_semaphore, #tpu.memory_space<semaphore_mem>>) src(%dma_wait3A_158 : memref<100000x128xf32, #tpu.memory_space<hbm>>) dst(%dma_wait3A_152 : memref<64x128xf32, #tpu.memory_space<vmem>>)
    %add3A_159 = arith.constant 4096 : i32
    %add3A_160 = arith.addi %add3A_159, %mul3A_2 : i32
    %add3A_161 = arith.constant 64 : i32
    %add3A_162 = arith.addi %add3A_160, %add3A_161 : i32
    %dma_start3A_163 = arith.constant 192 : i32
    %dma_start3A_164 = arith.constant 0 : i32
    %dma_start3A_165 = tpu.memref_slice %arg7[%dma_start3A_163, %dma_start3A_164] : memref<256x128xf32, #tpu.memory_space<vmem>> -> memref<64x128xf32, #tpu.memory_space<vmem>>
    %dma_start3A_166 = arith.constant 0 : i32
    %dma_start3A_167 = tpu.memref_slice %arg5[%add3A_162, %dma_start3A_166] : memref<8192x128xf32, #tpu.memory_space<hbm>> -> memref<64x128xf32, #tpu.memory_space<hbm>>
    %dma_start3A_168 = arith.constant 0 : i32
    %dma_start3A_169 = tpu.memref_slice %arg5[%add3A_162, %dma_start3A_168] : memref<8192x128xf32, #tpu.memory_space<hbm>> -> memref<64x128xf32, #tpu.memory_space<hbm>>
    %dma_start3A_170 = arith.constant 192 : i32
    %dma_start3A_171 = arith.constant 0 : i32
    %dma_start3A_172 = tpu.memref_slice %arg7[%dma_start3A_170, %dma_start3A_171] : memref<256x128xf32, #tpu.memory_space<vmem>> -> memref<64x128xf32, #tpu.memory_space<vmem>>
    tpu.enqueue_dma source(%dma_start3A_172 : memref<64x128xf32, #tpu.memory_space<vmem>>) target(%dma_start3A_169 : memref<64x128xf32, #tpu.memory_space<hbm>>) target_semaphore(%arg10 : memref<!tpu.dma_semaphore, #tpu.memory_space<semaphore_mem>>)
    %dma_wait3A_173 = arith.constant 0 : i32
    %dma_wait3A_174 = arith.constant 0 : i32
    %dma_wait3A_175 = tpu.memref_slice %arg7[%dma_wait3A_173, %dma_wait3A_174] : memref<256x128xf32, #tpu.memory_space<vmem>> -> memref<64x128xf32, #tpu.memory_space<vmem>>
    %dma_wait3A_176 = arith.constant 0 : i32
    %dma_wait3A_177 = tpu.memref_slice %arg5[%add3A_90, %dma_wait3A_176] : memref<8192x128xf32, #tpu.memory_space<hbm>> -> memref<64x128xf32, #tpu.memory_space<hbm>>
    %dma_wait3A_178 = arith.constant 0 : i32
    %dma_wait3A_179 = tpu.memref_slice %arg5[%add3A_90, %dma_wait3A_178] : memref<8192x128xf32, #tpu.memory_space<hbm>> -> memref<64x128xf32, #tpu.memory_space<hbm>>
    %dma_wait3A_180 = arith.constant 0 : i32
    %dma_wait3A_181 = arith.constant 0 : i32
    %dma_wait3A_182 = tpu.memref_slice %arg7[%dma_wait3A_180, %dma_wait3A_181] : memref<256x128xf32, #tpu.memory_space<vmem>> -> memref<64x128xf32, #tpu.memory_space<vmem>>
    tpu.wait_dma2 semaphore(%arg10 : memref<!tpu.dma_semaphore, #tpu.memory_space<semaphore_mem>>) src(%dma_wait3A_182 : memref<64x128xf32, #tpu.memory_space<vmem>>) dst(%dma_wait3A_179 : memref<64x128xf32, #tpu.memory_space<hbm>>)
    %dma_wait3A_183 = arith.constant 64 : i32
    %dma_wait3A_184 = arith.constant 0 : i32
    %dma_wait3A_185 = tpu.memref_slice %arg7[%dma_wait3A_183, %dma_wait3A_184] : memref<256x128xf32, #tpu.memory_space<vmem>> -> memref<64x128xf32, #tpu.memory_space<vmem>>
    %dma_wait3A_186 = arith.constant 0 : i32
    %dma_wait3A_187 = tpu.memref_slice %arg5[%add3A_114, %dma_wait3A_186] : memref<8192x128xf32, #tpu.memory_space<hbm>> -> memref<64x128xf32, #tpu.memory_space<hbm>>
    %dma_wait3A_188 = arith.constant 0 : i32
    %dma_wait3A_189 = tpu.memref_slice %arg5[%add3A_114, %dma_wait3A_188] : memref<8192x128xf32, #tpu.memory_space<hbm>> -> memref<64x128xf32, #tpu.memory_space<hbm>>
    %dma_wait3A_190 = arith.constant 64 : i32
    %dma_wait3A_191 = arith.constant 0 : i32
    %dma_wait3A_192 = tpu.memref_slice %arg7[%dma_wait3A_190, %dma_wait3A_191] : memref<256x128xf32, #tpu.memory_space<vmem>> -> memref<64x128xf32, #tpu.memory_space<vmem>>
    tpu.wait_dma2 semaphore(%arg10 : memref<!tpu.dma_semaphore, #tpu.memory_space<semaphore_mem>>) src(%dma_wait3A_192 : memref<64x128xf32, #tpu.memory_space<vmem>>) dst(%dma_wait3A_189 : memref<64x128xf32, #tpu.memory_space<hbm>>)
    %dma_wait3A_193 = arith.constant 128 : i32
    %dma_wait3A_194 = arith.constant 0 : i32
    %dma_wait3A_195 = tpu.memref_slice %arg7[%dma_wait3A_193, %dma_wait3A_194] : memref<256x128xf32, #tpu.memory_space<vmem>> -> memref<64x128xf32, #tpu.memory_space<vmem>>
    %dma_wait3A_196 = arith.constant 0 : i32
    %dma_wait3A_197 = tpu.memref_slice %arg5[%add3A_138, %dma_wait3A_196] : memref<8192x128xf32, #tpu.memory_space<hbm>> -> memref<64x128xf32, #tpu.memory_space<hbm>>
    %dma_wait3A_198 = arith.constant 0 : i32
    %dma_wait3A_199 = tpu.memref_slice %arg5[%add3A_138, %dma_wait3A_198] : memref<8192x128xf32, #tpu.memory_space<hbm>> -> memref<64x128xf32, #tpu.memory_space<hbm>>
    %dma_wait3A_200 = arith.constant 128 : i32
    %dma_wait3A_201 = arith.constant 0 : i32
    %dma_wait3A_202 = tpu.memref_slice %arg7[%dma_wait3A_200, %dma_wait3A_201] : memref<256x128xf32, #tpu.memory_space<vmem>> -> memref<64x128xf32, #tpu.memory_space<vmem>>
    tpu.wait_dma2 semaphore(%arg10 : memref<!tpu.dma_semaphore, #tpu.memory_space<semaphore_mem>>) src(%dma_wait3A_202 : memref<64x128xf32, #tpu.memory_space<vmem>>) dst(%dma_wait3A_199 : memref<64x128xf32, #tpu.memory_space<hbm>>)
    %dma_wait3A_203 = arith.constant 192 : i32
    %dma_wait3A_204 = arith.constant 0 : i32
    %dma_wait3A_205 = tpu.memref_slice %arg7[%dma_wait3A_203, %dma_wait3A_204] : memref<256x128xf32, #tpu.memory_space<vmem>> -> memref<64x128xf32, #tpu.memory_space<vmem>>
    %dma_wait3A_206 = arith.constant 0 : i32
    %dma_wait3A_207 = tpu.memref_slice %arg5[%add3A_162, %dma_wait3A_206] : memref<8192x128xf32, #tpu.memory_space<hbm>> -> memref<64x128xf32, #tpu.memory_space<hbm>>
    %dma_wait3A_208 = arith.constant 0 : i32
    %dma_wait3A_209 = tpu.memref_slice %arg5[%add3A_162, %dma_wait3A_208] : memref<8192x128xf32, #tpu.memory_space<hbm>> -> memref<64x128xf32, #tpu.memory_space<hbm>>
    %dma_wait3A_210 = arith.constant 192 : i32
    %dma_wait3A_211 = arith.constant 0 : i32
    %dma_wait3A_212 = tpu.memref_slice %arg7[%dma_wait3A_210, %dma_wait3A_211] : memref<256x128xf32, #tpu.memory_space<vmem>> -> memref<64x128xf32, #tpu.memory_space<vmem>>
    tpu.wait_dma2 semaphore(%arg10 : memref<!tpu.dma_semaphore, #tpu.memory_space<semaphore_mem>>) src(%dma_wait3A_212 : memref<64x128xf32, #tpu.memory_space<vmem>>) dst(%dma_wait3A_209 : memref<64x128xf32, #tpu.memory_space<hbm>>)
    return
  }
}

module attributes {stable_mosaic.version = 14 : i64} {
  func.func @_tc_body(%arg0: i32, %arg1: memref<2048x128xf32, #tpu.memory_space<vmem>>, %arg2: memref<2048x128xf32, #tpu.memory_space<vmem>>, %arg3: memref<2048x1xi32, #tpu.memory_space<vmem>>, %arg4: memref<32x128xf32, #tpu.memory_space<vmem>>, %arg5: memref<8x64xf32, #tpu.memory_space<vmem>>, %arg6: memref<128x64xf32, #tpu.memory_space<vmem>>, %arg7: memref<1x1xf32, #tpu.memory_space<vmem>>, %arg8: memref<1xf32, #tpu.memory_space<smem>>) attributes {dimension_semantics = [#tpu.dimension_semantics<arbitrary>], iteration_bounds = array<i64: 2>, scalar_prefetch = 0 : i64, scratch_operands = 1 : i64, tpu.core_type = #tpu.core_type<tc>, window_params = [{transform_indices = @transform_0, window_bounds = array<i64: 2048, 128>}, {transform_indices = @transform_1, window_bounds = array<i64: 2048, 128>}, {transform_indices = @transform_2, window_bounds = array<i64: 2048, 1>}, {pipeline_mode = #tpu.pipeline_mode<synchronous>, transform_indices = @transform_3, window_bounds = array<i64: 32, 128>}, {pipeline_mode = #tpu.pipeline_mode<synchronous>, transform_indices = @transform_4, window_bounds = array<i64: 8, 64>}, {pipeline_mode = #tpu.pipeline_mode<synchronous>, transform_indices = @transform_5, window_bounds = array<i64: 128, 64>}, {pipeline_mode = #tpu.pipeline_mode<synchronous>, transform_indices = @transform_6, window_bounds = array<i64: 1, 1>}]} {
    %get3A = arith.constant 0 : index
    %get3A_0 = arith.constant 0 : index
    %get3A_1 = vector.load %arg6[%get3A, %get3A_0] : memref<128x64xf32, #tpu.memory_space<vmem>>, vector<128x64xf32>
    %get3A_2 = arith.constant 0 : index
    %get3A_3 = arith.constant 0 : index
    %get3A_4 = vector.load %arg1[%get3A_2, %get3A_3] : memref<2048x128xf32, #tpu.memory_space<vmem>>, vector<2048x128xf32>
    %dot_general3A = arith.constant dense<0.000000e+00> : vector<2048x64xf32>
    %dot_general3A_5 = tpu.matmul %get3A_4, %get3A_1, %dot_general3A {dimension_numbers = #tpu.dot_dimension_numbers<[1], [0], [0], [1], [0, 0, 1, 1], [], []>, transpose_lhs_hint = false} : vector<2048x128xf32>, vector<128x64xf32>, vector<2048x64xf32> -> vector<2048x64xf32>
    %get3A_6 = arith.constant 0 : index
    %get3A_7 = arith.constant 0 : index
    %get3A_8 = vector.load %arg2[%get3A_6, %get3A_7] : memref<2048x128xf32, #tpu.memory_space<vmem>>, vector<2048x128xf32>
    %dot_general3A_9 = arith.constant dense<0.000000e+00> : vector<2048x64xf32>
    %dot_general3A_10 = tpu.matmul %get3A_8, %get3A_1, %dot_general3A_9 {dimension_numbers = #tpu.dot_dimension_numbers<[1], [0], [0], [1], [0, 0, 1, 1], [], []>, transpose_lhs_hint = false} : vector<2048x128xf32>, vector<128x64xf32>, vector<2048x64xf32> -> vector<2048x64xf32>
    %get3A_11 = arith.constant 0 : index
    %get3A_12 = arith.constant 0 : index
    %get3A_13 = vector.load %arg3[%get3A_11, %get3A_12] : memref<2048x1xi32, #tpu.memory_space<vmem>>, vector<2048x1xi32>
    %iota3A = tpu.iota {dimensions = array<i32: 1>} : vector<2048x8xi32>
    %eq3A = vector.broadcast %get3A_13 : vector<2048x1xi32> to vector<2048x8xi32>
    %eq3A_14 = arith.cmpi eq, %iota3A, %eq3A : vector<2048x8xi32>
    %convert_element_type3A = arith.extui %eq3A_14 : vector<2048x8xi1> to vector<2048x8xi32>
    %convert_element_type3A_15 = arith.sitofp %convert_element_type3A : vector<2048x8xi32> to vector<2048x8xf32>
    %get3A_16 = arith.constant 0 : index
    %get3A_17 = arith.constant 0 : index
    %get3A_18 = vector.load %arg5[%get3A_16, %get3A_17] : memref<8x64xf32, #tpu.memory_space<vmem>>, vector<8x64xf32>
    %dot_general3A_19 = arith.constant dense<0.000000e+00> : vector<2048x64xf32>
    %dot_general3A_20 = tpu.matmul %convert_element_type3A_15, %get3A_18, %dot_general3A_19 {dimension_numbers = #tpu.dot_dimension_numbers<[1], [0], [0], [1], [0, 0, 1, 1], [], []>, transpose_lhs_hint = false} : vector<2048x8xf32>, vector<8x64xf32>, vector<2048x64xf32> -> vector<2048x64xf32>
    %add3A = arith.addf %dot_general3A_20, %dot_general3A_5 : vector<2048x64xf32>
    %add3A_21 = arith.addf %dot_general3A_20, %dot_general3A_10 : vector<2048x64xf32>
    %mul3A = arith.mulf %add3A, %add3A_21 : vector<2048x64xf32>
    %reduce_sum3A = vector.shape_cast %mul3A : vector<2048x64xf32> to vector<1x2048x64xf32>
    %reduce_sum3A_22 = arith.constant dense<0.000000e+00> : vector<1xf32>
    %reduce_sum3A_23 = vector.multi_reduction <add>, %reduce_sum3A, %reduce_sum3A_22 [1, 2] : vector<1x2048x64xf32> to vector<1xf32>
    %reduce_sum3A_24 = vector.shape_cast %reduce_sum3A_23 : vector<1xf32> to vector<1x1x1xf32>
    %reduce_sum3A_25 = vector.extract %reduce_sum3A_24[0, 0, 0] : f32 from vector<1x1x1xf32>
    %eq3A_26 = arith.constant 0 : i32
    %eq3A_27 = arith.cmpi eq, %arg0, %eq3A_26 : i32
    %convert_element_type3A_28 = arith.extui %eq3A_27 : i1 to i32
    %cond3A = arith.constant 0 : i32
    %cond3A_29 = arith.cmpi ne, %convert_element_type3A_28, %cond3A : i32
    scf.if %cond3A_29 {
      %swap3A = arith.constant 0 : index
      %swap3A_40 = memref.load %arg8[%swap3A] : memref<1xf32, #tpu.memory_space<smem>>
      memref.store %reduce_sum3A_25, %arg8[%swap3A] : memref<1xf32, #tpu.memory_space<smem>>
    } else {
    }
    %gt3A = arith.constant 0 : i32
    %gt3A_30 = arith.cmpi sgt, %arg0, %gt3A : i32
    %lt3A = arith.constant 1 : i32
    %lt3A_31 = arith.cmpi slt, %arg0, %lt3A : i32
    %and3A = arith.andi %gt3A_30, %lt3A_31 : i1
    %convert_element_type3A_32 = arith.extui %and3A : i1 to i32
    %cond3A_33 = arith.constant 0 : i32
    %cond3A_34 = arith.cmpi ne, %convert_element_type3A_32, %cond3A_33 : i32
    scf.if %cond3A_34 {
      %get3A_40 = arith.constant 0 : index
      %get3A_41 = memref.load %arg8[%get3A_40] : memref<1xf32, #tpu.memory_space<smem>>
      %add3A_42 = arith.addf %get3A_41, %reduce_sum3A_25 : f32
      %swap3A = arith.constant 0 : index
      %swap3A_43 = memref.load %arg8[%swap3A] : memref<1xf32, #tpu.memory_space<smem>>
      memref.store %add3A_42, %arg8[%swap3A] : memref<1xf32, #tpu.memory_space<smem>>
    } else {
    }
    %eq3A_35 = arith.constant 1 : i32
    %eq3A_36 = arith.cmpi eq, %arg0, %eq3A_35 : i32
    %convert_element_type3A_37 = arith.extui %eq3A_36 : i1 to i32
    %cond3A_38 = arith.constant 0 : i32
    %cond3A_39 = arith.cmpi ne, %convert_element_type3A_37, %cond3A_38 : i32
    scf.if %cond3A_39 {
      %get3A_40 = arith.constant 0 : index
      %get3A_41 = arith.constant 0 : index
      %get3A_42 = vector.load %arg4[%get3A_40, %get3A_41] : memref<32x128xf32, #tpu.memory_space<vmem>>, vector<32x128xf32>
      %get3A_43 = arith.constant 0 : index
      %get3A_44 = memref.load %arg8[%get3A_43] : memref<1xf32, #tpu.memory_space<smem>>
      %add3A_45 = arith.addf %get3A_44, %reduce_sum3A_25 : f32
      %mul3A_46 = vector.broadcast %add3A_45 : f32 to vector<32x128xf32>
      %mul3A_47 = arith.mulf %get3A_42, %mul3A_46 : vector<32x128xf32>
      %min3A = arith.constant 0.000000e+00 : f32
      %min3A_48 = vector.broadcast %min3A : f32 to vector<32x128xf32>
      %min3A_49 = arith.minimumf %mul3A_47, %min3A_48 : vector<32x128xf32>
      %abs3A = math.absf %mul3A_47 : vector<32x128xf32>
      %neg3A = arith.constant 0.000000e+00 : f32
      %neg3A_50 = vector.broadcast %neg3A : f32 to vector<32x128xf32>
      %neg3A_51 = arith.subf %neg3A_50, %abs3A : vector<32x128xf32>
      %exp3A = math.exp %neg3A_51 : vector<32x128xf32>
      %log1p3A = math.log1p %exp3A : vector<32x128xf32>
      %sub3A = arith.subf %min3A_49, %log1p3A : vector<32x128xf32>
      %reduce_sum3A_52 = vector.shape_cast %sub3A : vector<32x128xf32> to vector<1x32x128xf32>
      %reduce_sum3A_53 = arith.constant dense<0.000000e+00> : vector<1xf32>
      %reduce_sum3A_54 = vector.multi_reduction <add>, %reduce_sum3A_52, %reduce_sum3A_53 [1, 2] : vector<1x32x128xf32> to vector<1xf32>
      %reduce_sum3A_55 = vector.shape_cast %reduce_sum3A_54 : vector<1xf32> to vector<1x1x1xf32>
      %reduce_sum3A_56 = vector.extract %reduce_sum3A_55[0, 0, 0] : f32 from vector<1x1x1xf32>
      %neg3A_57 = arith.constant 0.000000e+00 : f32
      %neg3A_58 = arith.subf %neg3A_57, %reduce_sum3A_56 : f32
      %reshape3A = vector.broadcast %neg3A_58 : f32 to vector<1x1xf32>
      %swap3A = arith.constant 0 : index
      %swap3A_59 = arith.constant 0 : index
      %swap3A_60 = vector.load %arg7[%swap3A, %swap3A_59] : memref<1x1xf32, #tpu.memory_space<vmem>>, vector<1x1xf32>
      tpu.vector_store %arg7[%swap3A, %swap3A_59], %reshape3A {strides = array<i32>} : memref<1x1xf32, #tpu.memory_space<vmem>>, vector<1x1xf32>,
    } else {
    }
    return
  }
  func.func @transform_0(%arg0: i32) -> (i32, i32) {
    %c0_i32 = arith.constant 0 : i32
    %c0_i32_0 = arith.constant 0 : i32
    return %arg0, %c0_i32 : i32, i32
  }
  func.func @transform_1(%arg0: i32) -> (i32, i32) {
    %add3A = arith.constant 2 : i32
    %add3A_0 = arith.addi %arg0, %add3A : i32
    %c0_i32 = arith.constant 0 : i32
    %c0_i32_1 = arith.constant 0 : i32
    return %add3A_0, %c0_i32 : i32, i32
  }
  func.func @transform_2(%arg0: i32) -> (i32, i32) {
    %c0_i32 = arith.constant 0 : i32
    %c0_i32_0 = arith.constant 0 : i32
    return %arg0, %c0_i32 : i32, i32
  }
  func.func @transform_3(%arg0: i32) -> (i32, i32) {
    %c0_i32 = arith.constant 0 : i32
    %c0_i32_0 = arith.constant 0 : i32
    %c0_i32_1 = arith.constant 0 : i32
    return %c0_i32, %c0_i32_0 : i32, i32
  }
  func.func @transform_4(%arg0: i32) -> (i32, i32) {
    %c0_i32 = arith.constant 0 : i32
    %c0_i32_0 = arith.constant 0 : i32
    %c0_i32_1 = arith.constant 0 : i32
    return %c0_i32, %c0_i32_0 : i32, i32
  }
  func.func @transform_5(%arg0: i32) -> (i32, i32) {
    %c0_i32 = arith.constant 0 : i32
    %c0_i32_0 = arith.constant 0 : i32
    %c0_i32_1 = arith.constant 0 : i32
    return %c0_i32, %c0_i32_0 : i32, i32
  }
  func.func @transform_6(%arg0: i32) -> (i32, i32) {
    %c0_i32 = arith.constant 0 : i32
    %c0_i32_0 = arith.constant 0 : i32
    %c0_i32_1 = arith.constant 0 : i32
    return %c0_i32, %c0_i32_0 : i32, i32
  }
}

</mosaic_0001>

<sc_bundles>
// kernel: kernel.4.cloned.1.call-start
scs
__scs_entry_jumppad:
0x0: {  	(pc) =	sbr.rel $0x88, $3  }
0x1: {  	(tag) =	ssettag $0x0;
	lr =	simm.s32 $0x1  }
0x2: {  	[smem:$0x3F9A] =	sst lr;
	_ =	strace $0xD0000000  }
0x3: {  	_ = 	snop  }
0x4: {  	_ = 	snop  }
0x5: {  	_ = 	snop  }
0x6: {  	_ = 	snop  }
0x7: {  	_ = 	snop  }
__scs_overlays_trampoline_lowered:
0x8: {  	[smem:$0x3FA9] =	sst s0  }
0x9: {  	[smem:$0x3FAA] =	sst s1  }
0xa: {  	[smem:$0x3FAB] =	sst s2  }
0xb: {  	[smem:$0x3FAC] =	sst s3  }
0xc: {  	[smem:$0x3FAD] =	sst s4  }
0xd: {  	[smem:$0x3FAE] =	sst s5  }
0xe: {  	[smem:$0x3FAF] =	sst s6  }
0xf: {  	[smem:$0x3FB0] =	sst s7  }
0x10: {  	[smem:$0x3FB1] =	sst s8  }
0x11: {  	[smem:$0x3FB2] =	sst s9;
	s0 =	simm.s32 @!p0 $0x0  }
0x12: {  	s1 =	sld [smem:$0x3F98];
	s0 =	simm.s32 @p0 $0x1  }
0x13: {  	[smem:$0x3FB3] =	sst s0;
	s0 =	simm.s32 @!p1 $0x0  }
0x14: {  	s2 =	sld [smem:$0x3F97];
	s0 =	simm.s32 @p1 $0x1  }
0x15: {  	[smem:$0x3FB4] =	sst s0;
	s0 =	simm.s32 @!p2 $0x0  }
0x16: {  	s3 =	sld [smem:$0x3FDB];
	s0 =	simm.s32 @p2 $0x1  }
0x17: {  	s4 =	simm.s32 $0x1BF5;
	[smem:$0x3FB6] =	sst s0  }
0x18: {  	s0 =	sld [smem:$0x3F99];
	_ =	swait.ge [sflag:s4], $0x0  }
0x19: {  	s7 =	sld [smem:$0x3F9A]  }
0x1a: {  	s8 =	sadd.s32 $0xFFFFE003, lr  }
0x1b: {  	s9 =	sadd.s32 $0xFFFFFEF7, lr;
	s5 =	simm.s32 $0xFFFFFFFF;
	p2 =	slt.u32 s8, $0xFFFFF086  }
0x1c: {  	p1 =	slt.u32 s9, $0xF7A;
	s5 =	simm.s32 @!p2 $0x0  }
0x1d: {  	s5 =	simm.s32 @p1 $0x1;
	p0 =	seq.s32 s7, s2  }
0x1e: {  	s7 =	smul.u32 @!p0 $0xF7A, s2;
	p2 =	seq.s32 @!p0 s5, $0x0  }
0x1f: {  	s9 =	smul.u32 $0xF7A, s1;
	s8 =	simm.s32 @!p0 $0x1BF5;
	p2 =	por !p2, p0  }
0x20: {  	[sflag:s8] =	ssyncset.s32 @!p0 $0xFFFFF086;
	s6 =	sadd.s32 @!p0 s3, s7;
	s7 =	simm.s32 @!p0 $0x108  }
0x21: {  	s3 =	sadd.s32 s3, s9;
	s6 =	sadd.s32 @!p0 $0x88, s6;
	s7 =	simm.s32 @p2 $0x1082  }
0x22: {  	[simem:s7], [sflag:s8] =	dma.local @!p0 [hbm:s6], $0xF7A  }
0x23: {  	s9 =	sor.u32 $0xD0000000, s2;
	s6 =	simm.s32 $0x108;
	_ =	swait.ge @!p0 [sflag:s8], $0x0  }
0x24: {  	s3 =	sadd.s32 $0x88, s3;
	s6 =	simm.s32 @!p1 $0x1082;
	[sflag:s4] =	ssyncset.s32 $0xFFFFF086  }
0x25: {  	[simem:s6], [sflag:s4] =	dma.local [hbm:s3], $0xF7A  }
0x26: {  	[smem:$0x3F9A] =	sst s1;
	(tag) =	ssettag s2;
	_ =	strace s9  }
0x27: {  	s1 =	sld [smem:$0x3FAA]  }
0x28: {  	s2 =	sld [smem:$0x3FAB]  }
0x29: {  	s4 =	sld [smem:$0x3FAD]  }
0x2a: {  	p0 =	seq.s32 s5, $0x0;
	s5 =	sld [smem:$0x3FAE]  }
0x2b: {  	s6 =	sld [smem:$0x3FAF]  }
0x2c: {  	s7 =	sld [smem:$0x3FB0]  }
0x2d: {  	s3 =	simm.s32 $0x108;
	s8 =	sld [smem:$0x3FB1]  }
0x2e: {  	s3 =	simm.s32 @!p0 $0x1082;
	s9 =	sld [smem:$0x3FB2]  }
0x2f: {  	lr =	sadd.s32 s0, s3;
	s0 =	sld [smem:$0x3FA9]  }
0x30: {  	s3 =	sld [smem:$0x3FAC]  }
0x31: {  	[smem:$0x3FB5] =	sst s10  }
0x32: {  	s10 =	sld [smem:$0x3FB3];
	_ =	sdelay $0x3  }
0x33: {  	p0 =	seq.s32 s10, $0x1;
	s10 =	sld [smem:$0x3FB5];
	_ =	sdelay $0x3  }
0x34: {  	[smem:$0x3FB5] =	sst s10  }
0x35: {  	s10 =	sld [smem:$0x3FB4];
	_ =	sdelay $0x3  }
0x36: {  	p1 =	seq.s32 s10, $0x1;
	s10 =	sld [smem:$0x3FB5];
	_ =	sdelay $0x3  }
0x37: {  	[smem:$0x3FB5] =	sst s10  }
0x38: {  	s10 =	sld [smem:$0x3FB6]  }
0x39: {  	_ = 	snop;
	(pc) =	sbr.ind lr, $3  }
0x3a: {  	_ = 	snop  }
0x3b: {  	_ = 	snop  }
0x3c: {  	p2 =	seq.s32 s10, $0x1;
	s10 =	sld [smem:$0x3FB5]  }
0x3d: {  	_ =	shalt  }
0x3e: {  	_ =	shalt  }
0x3f: {  	_ =	shalt  }
0x40: {  	_ =	shalt  }
0x41: {  	_ =	shalt  }
0x42: {  	_ =	shalt  }
0x43: {  	_ =	shalt  }
0x44: {  	_ =	shalt  }
0x45: {  	_ =	shalt  }
0x46: {  	_ =	shalt  }
0x47: {  	_ =	shalt  }
0x48: {  	_ =	shalt  }
0x49: {  	_ =	shalt  }
0x4a: {  	_ =	shalt  }
0x4b: {  	_ =	shalt  }
0x4c: {  	_ =	shalt  }
0x4d: {  	_ =	shalt  }
0x4e: {  	_ =	shalt  }
0x4f: {  	_ =	shalt  }
0x50: {  	_ =	shalt  }
0x51: {  	_ =	shalt  }
0x52: {  	_ =	shalt  }
0x53: {  	_ =	shalt  }
0x54: {  	_ =	shalt  }
0x55: {  	_ =	shalt  }
0x56: {  	_ =	shalt  }
0x57: {  	_ =	shalt  }
0x58: {  	_ =	shalt  }
0x59: {  	_ =	shalt  }
0x5a: {  	_ =	shalt  }
0x5b: {  	_ =	shalt  }
0x5c: {  	_ =	shalt  }
0x5d: {  	_ =	shalt  }
0x5e: {  	_ =	shalt  }
0x5f: {  	_ =	shalt  }
0x60: {  	_ =	shalt  }
0x61: {  	_ =	shalt  }
0x62: {  	_ =	shalt  }
0x63: {  	_ =	shalt  }
0x64: {  	_ =	shalt  }
0x65: {  	_ =	shalt  }
0x66: {  	_ =	shalt  }
0x67: {  	_ =	shalt  }
0x68: {  	_ =	shalt  }
0x69: {  	_ =	shalt  }
0x6a: {  	_ =	shalt  }
0x6b: {  	_ =	shalt  }
0x6c: {  	_ =	shalt  }
0x6d: {  	_ =	shalt  }
0x6e: {  	_ =	shalt  }
0x6f: {  	_ =	shalt  }
0x70: {  	_ =	shalt  }
0x71: {  	_ =	shalt  }
0x72: {  	_ =	shalt  }
0x73: {  	_ =	shalt  }
0x74: {  	_ =	shalt  }
0x75: {  	_ =	shalt  }
0x76: {  	_ =	shalt  }
0x77: {  	_ =	shalt  }
0x78: {  	_ =	shalt  }
0x79: {  	_ =	shalt  }
0x7a: {  	_ =	shalt  }
0x7b: {  	_ =	shalt  }
0x7c: {  	_ =	shalt  }
0x7d: {  	_ =	shalt  }
0x7e: {  	_ =	shalt  }
0x7f: {  	_ =	shalt  }
0x80: {  	_ =	shalt  }
0x81: {  	_ =	shalt  }
0x82: {  	_ =	shalt  }
0x83: {  	_ =	shalt  }
0x84: {  	_ =	shalt  }
0x85: {  	_ =	shalt  }
0x86: {  	_ =	shalt  }
0x87: {  	_ =	shalt  }
.Lfunc_end0:
.L_simem_size_0:
called_computation_lowered:
.L_overlay_start_0:
0x88: {  	s2 =	sld [smem:$0x3FD9]  }
0x89: {  	s3 =	sld [smem:$0x3FFE];
	_ =	sdelay $0x1  }
0x8a: {  	s1 =	srdreg.scid  }
0x8b: {  	s0 =	sand.u32 $0x1, s1  }
0x8c: {  	s17 =	sshll.u32 s0, $0xA;
	s2 =	sadd.s32 s3, s2  }
0x8d: {  	s2 =	sadd.s32 s2, s17  }
0x8e: {  	[smem:$0x3FC1] =	sst s2  }
0x8f: {  	_ = 	snop  }
0x90: {  	s2 =	sld [smem:$0x3FC9]  }
0x91: {  	s18 =	sld [smem:$0x3FC8]  }
0x92: {  	s4 =	sld [smem:$0x3FC5];
	(tm) =	ssettm $0x1  }
0x93: {  	s5 =	sld [smem:$0x3FFB];
	_ =	sdelay $0x3  }
0x94: {  	_ =	strace s5  }
0x95: {  	s5 =	sld [smem:$0x3FFC];
	_ =	sdelay $0x3  }
0x96: {  	_ =	strace s5  }
0x97: {  	s5 =	sld [smem:$0x3FFD];
	_ =	sdelay $0x3  }
0x98: {  	_ =	strace s5  }
0x99: {  	_ =	strace $0x8FFFFFFF  }
0x9a: {  	s19 =	sld [smem:$0x3FDB];
	_ =	sdelay $0x1  }
0x9b: {  	s6 =	simm.s32 $_scs_section_size  }
0x9c: {  	s7 =	simm.s32 $_size__tile_overlayer_lowered;
	s8 =	simm.s32 $_tile_overlayer_lowered  }
0x9d: {  	s22 =	simm.s32 $0x1BFF;
	s21 =	sshll.u32 s8, $0x1;
	s5 =	sadd.s32 s6, s19  }
0x9e: {  	s9 =	simm.s32 $0x0;
	s20 =	sshll.u32 s7, $0x1;
	s7 =	sadd.s32 s21, s5  }
0x9f: {  	[timem:s9], [sflag:s22] =	dma.local [hbm:s7], s20  }
0xa0: {  	_ =	swait.ge [sflag:s22], s20  }
0xa1: {  	s6 =	ssub.s32 $0x0, s20;
	[sflag:s22] =	ssyncset.done $0x0  }
0xa2: {  	[sflag:s22] =	ssyncadd.s32 s6;
	_ =	sdelay $0x1  }
0xa3: {  	s23 =	simm.s32 $0x1B8B  }
0xa4: {  	_ =	swait.ge [sflag:s23], $0x1  }
0xa5: {  	[sflag:s23] =	ssyncset.done $0x0  }
0xa6: {  	s25 =	simm.s32 $0x1B8E;
	s24 =	sld [smem:$0x3FFE];
	[sflag:s23] =	ssyncadd.s32 $0xFFFFFFFF  }
0xa7: {  	s26 =	simm.s32 $execute0_lowered;
	[smem:$0x3FD2] =	sst s25  }
0xa8: {  	s7 =	sshll.u32 s26, $0x1;
	_ =	strace $0x80000046;
	[dreg:$0x1] =	wrdreg $0xFFFFFFFF  }
0xa9: {  	s28 =	simm.s32 $_size_execute0_lowered;
	s5 =	sadd.s32 s5, s7;
	[dreg:$0x0] =	wrdreg $0x0  }
0xaa: {  	s7 =	sshll.u32 s28, $0x1;
	[dreg:$0x2] =	wrdreg s5  }
0xab: {  	[dreg:$0x3] =	wrdreg s7  }
0xac: {  	[dreg:$0x4] =	wrdreg $0xC0  }
0xad: {  	_ =	task [dreg:s9], $0x5FFFF  }
0xae: {  	[dreg:$0x1] =	wrdreg $0xFFFFFFFF  }
0xaf: {  	[dreg:$0x0] =	wrdreg $0x60  }
0xb0: {  	[dreg:$0x2] =	wrdreg s2  }
0xb1: {  	[dreg:$0x3] =	wrdreg s18  }
0xb2: {  	[dreg:$0x4] =	wrdreg s4  }
0xb3: {  	[dreg:$0x5] =	wrdreg s24  }
0xb4: {  	[dreg:$0x6] =	wrdreg $0x9  }
0xb5: {  	_ =	task.clear_ibuf [dreg:s9], $0x7FFFF;
	_ =	strace $0x90000046  }
0xb6: {  	s29 =	simm.s32 $0x9;
	_ =	strace $0x80000048  }
0xb7: {  	_ =	swait.ge [sflag:s29], $0x1  }
0xb8: {  	[sflag:s29] =	ssyncadd.s32 $0xFFFFFFFF  }
0xb9: {  	_ =	strace $0x90000048  }
0xba: {  	_ =	sfence  }
0xbb: {  	s30 =	sld [smem:$0x0];
	_ =	sdelay $0x2  }
0xbc: {  	s31 =	sshll.u32 s1, $0xD;
	s1 =	sshrl.u32 s1, $0x2  }
0xbd: {  	s3 =	sand.u32 $0x4000, s31;
	s1 =	sadd.s32 s1, s30  }
0xbe: {  	s0 =	sor.u32 s3, s0;
	s1 =	sshll.u32 s1, $0x11  }
0xbf: {  	s0 =	sor.u32 s1, s0  }
0xc0: {  	s0 =	sadd.s32 $0x8F2B, s0  }
0xc1: {  	[sflag:s0] =	ssyncadd.remote.s32 $0x1  }
0xc2: {  	_ =	sfence.sel $0xFFFF  }
0xc3: {  	[dreg:$0x0] =	wrdreg $0xFFFFFFFF;
	(pc) =	sbr.abs _section_cstart, $3  }
0xc4: {  	[dreg:$0x1] =	wrdreg $0xFFFFFFFF  }
0xc5: {  	_ =	task.clear_ibuf [dreg:s9], $0x2FFFF;
	_ =	strace $0x9FFFFFFF  }
0xc6: {  	(tm) =	ssettm $0x7FFFFFFF  }
0xc7: {  	_ =	shalt  }
tec
execute0_lowered:
.L_overlay_start_1:
0x0: {  	(tag) =	ssettag $0x1  }
0x1: {  	s4 =	rddreg [dreg:$0x0];
	s1 =	srdreg.scid  }
0x2: {  	s5 =	rddreg [dreg:$0x1];
	s0 =	stileid.u32;
	s20 =	sand.u32 $0x1, s1  }
0x3: {  	s2 =	rddreg [dreg:$0x2];
	s6 =	sshll.u32 s0, $0x8;
	s7 =	sshll.u32 s20, $0x7  }
0x4: {  	s15 =	rddreg [dreg:$0x3];
	s3 =	simm.s32 $0x0;
	s16 =	sor.u32 s7, s6  }
0x5: {  	[smem:$0x7FF] =	sst s3;
	s6 =	sshrl.u32 s16, $0x3  }
0x6: {  	s1 =	rddreg [dreg:$0x4];
	_ =	strace $0x80000047;
	s4 =	sadd.s32 s4, s6  }
0x7: {  	[tilespmem:s3], [sflag:$0x1] =	stream.linear.gather [hbm4b:s4+s3], $0x80, $0x38;
	[tilespmem:$0x8100] =	vst v63  }
0x8: {  	s7 =	simm.s32 $0x1;
	s5 =	sadd.s32 s5, s6;
	s6 =	simm.s32 $0x80  }
0x9: {  	[tilespmem:s6], [sflag:$0x1] =	stream.linear.gather [hbm4b:s5+s3], $0x80, $0x38;
	[tilespmem:$0x8100] =	vst v63  }
0xa: {  	_ =	swait.ge [sflag:s7], $0x80  }
0xb: {  	[sflag:s7] =	ssyncset.done $0x0  }
0xc: {  	[sflag:s7] =	ssyncadd.s32 $0xFFFFFF80  }
0xd: {  	_ =	swait.ge [sflag:s7], $0x80  }
0xe: {  	[sflag:s7] =	ssyncset.done $0x0  }
0xf: {  	s8 =	simm.s32 $0x40;
	s9 =	simm.s32 $0x100;
	[sflag:s7] =	ssyncadd.s32 $0xFFFFFF80  }
0x10: {  	[tilespmem:s9], [sflag:$0x2] =	stream.indirect.gather [hbm4b:s2+s8], $0x80, s3, s8, $0xb8;
	[tilespmem:$0x8100] =	vst v63  }
0x11: {  	s10 =	simm.s32 $0x2100  }
0x12: {  	[tilespmem:s10], [sflag:$0x2] =	stream.indirect.gather [hbm4b:s2+s8], $0x80, s8, s8, $0xb8;
	[tilespmem:$0x8100] =	vst v63  }
0x13: {  	s11 =	simm.s32 $0x4100  }
0x14: {  	[tilespmem:s11], [sflag:$0x2] =	stream.indirect.gather [hbm4b:s2+s8], $0x80, s6, s8, $0xb8;
	[tilespmem:$0x8100] =	vst v63  }
0x15: {  	s12 =	simm.s32 $0xC0;
	s13 =	simm.s32 $0x6100;
	s14 =	simm.s32 $0x2  }
0x16: {  	[tilespmem:s13], [sflag:$0x2] =	stream.indirect.gather [hbm4b:s2+s8], $0x80, s12, s8, $0xb8;
	[tilespmem:$0x8100] =	vst v63  }
0x17: {  	s16 =	sshll.u32 s16, $0x4;
	_ =	swait.ge [sflag:s14], $0x2000  }
0x18: {  	s18 =	sadd.s32 s16, s15;
	[sflag:s14] =	ssyncset.done $0x0  }
0x19: {  	s15 =	sadd.s32 $0xE00, s18;
	[sflag:s14] =	ssyncadd.s32 $0xFFFFE000  }
0x1a: {  	[hbm4b:s15+s3] =	stream.linear.scatter [tilespmem:s9], [sflag:$0x3], $0x2000, $0x38;
	[tilespmem:$0x8100] =	vst v63  }
0x1b: {  	_ =	swait.ge [sflag:s14], $0x2000  }
0x1c: {  	[sflag:s14] =	ssyncset.done $0x0  }
0x1d: {  	s16 =	sadd.s32 $0x1200, s18;
	[sflag:s14] =	ssyncadd.s32 $0xFFFFE000  }
0x1e: {  	[hbm4b:s16+s3] =	stream.linear.scatter [tilespmem:s10], [sflag:$0x3], $0x2000, $0x38;
	[tilespmem:$0x8100] =	vst v63  }
0x1f: {  	_ =	swait.ge [sflag:s14], $0x2000  }
0x20: {  	[sflag:s14] =	ssyncset.done $0x0  }
0x21: {  	s17 =	sadd.s32 $0x10E00, s18;
	[sflag:s14] =	ssyncadd.s32 $0xFFFFE000  }
0x22: {  	[hbm4b:s17+s3] =	stream.linear.scatter [tilespmem:s11], [sflag:$0x3], $0x2000, $0x38;
	[tilespmem:$0x8100] =	vst v63  }
0x23: {  	_ =	swait.ge [sflag:s14], $0x2000  }
0x24: {  	[sflag:s14] =	ssyncset.done $0x0  }
0x25: {  	s19 =	sadd.s32 $0x11200, s18;
	s18 =	simm.s32 $0x3;
	[sflag:s14] =	ssyncadd.s32 $0xFFFFE000  }
0x26: {  	[hbm4b:s19+s3] =	stream.linear.scatter [tilespmem:s13], [sflag:$0x3], $0x2000, $0x38;
	[tilespmem:$0x8100] =	vst v63  }
0x27: {  	_ =	swait.ge [sflag:s18], $0x2000  }
0x28: {  	s20 =	ssub.s32 $0x2, s20;
	[sflag:s18] =	ssyncset.done $0x0  }
0x29: {  	s21 =	sshrl.u32 s20, $0x1;
	[sflag:s18] =	ssyncadd.s32 $0xFFFFE000  }
0x2a: {  	s20 =	ssub.s32 s20, s21;
	_ =	swait.ge [sflag:s18], $0x2000  }
0x2b: {  	s20 =	smax.u32 s20, $0x1;
	[sflag:s18] =	ssyncset.done $0x0  }
0x2c: {  	p0 =	sne.s32 s20, $0x1;
	[sflag:s18] =	ssyncadd.s32 $0xFFFFE000  }
.Ltmp0:
0x2d: {  	_ =	swait.ge [sflag:s18], $0x2000;
	(pc) =	sbr.rel @!p0 .LBB2_2-.Ltmp0, $4  }
0x2e: {  	[sflag:s18] =	ssyncset.done $0x0  }
0x2f: {  	[sflag:s18] =	ssyncadd.s32 $0xFFFFE000  }
0x30: {  	_ =	swait.ge [sflag:s18], $0x2000  }
0x31: {  	s20 =	sadd.s32 $0xFFFFFFFF, s20;
	[sflag:s18] =	ssyncset.done $0x0  }
.LBB2_1:
0x32: {  	p0 =	sne.s32 s20, $0x1;
	s20 =	sadd.s32 $0xFFFFFFFF, s20;
	[sflag:s18] =	ssyncadd.s32 $0xFFFFE000  }
0x33: {  	[tilespmem:s3], [sflag:$0x1] =	stream.linear.gather [hbm4b:s4+s3], $0x80, $0x38;
	[tilespmem:$0x8100] =	vst v63  }
0x34: {  	_ = 	snop  }
0x35: {  	[tilespmem:s6], [sflag:$0x1] =	stream.linear.gather [hbm4b:s5+s3], $0x80, $0x38;
	[tilespmem:$0x8100] =	vst v63  }
0x36: {  	_ =	swait.ge [sflag:s7], $0x80  }
0x37: {  	[sflag:s7] =	ssyncset.done $0x0  }
0x38: {  	[sflag:s7] =	ssyncadd.s32 $0xFFFFFF80  }
0x39: {  	_ =	swait.ge [sflag:s7], $0x80  }
0x3a: {  	[sflag:s7] =	ssyncset.done $0x0  }
0x3b: {  	[sflag:s7] =	ssyncadd.s32 $0xFFFFFF80  }
0x3c: {  	[tilespmem:s9], [sflag:$0x2] =	stream.indirect.gather [hbm4b:s2+s8], $0x80, s3, s8, $0xb8;
	[tilespmem:$0x8100] =	vst v63  }
0x3d: {  	_ = 	snop  }
0x3e: {  	[tilespmem:s10], [sflag:$0x2] =	stream.indirect.gather [hbm4b:s2+s8], $0x80, s8, s8, $0xb8;
	[tilespmem:$0x8100] =	vst v63  }
0x3f: {  	_ = 	snop  }
0x40: {  	[tilespmem:s11], [sflag:$0x2] =	stream.indirect.gather [hbm4b:s2+s8], $0x80, s6, s8, $0xb8;
	[tilespmem:$0x8100] =	vst v63  }
0x41: {  	_ = 	snop  }
0x42: {  	[tilespmem:s13], [sflag:$0x2] =	stream.indirect.gather [hbm4b:s2+s8], $0x80, s12, s8, $0xb8;
	[tilespmem:$0x8100] =	vst v63  }
0x43: {  	_ =	swait.ge [sflag:s14], $0x2000  }
0x44: {  	[sflag:s14] =	ssyncset.done $0x0  }
0x45: {  	[sflag:s14] =	ssyncadd.s32 $0xFFFFE000  }
0x46: {  	[hbm4b:s15+s3] =	stream.linear.scatter [tilespmem:s9], [sflag:$0x3], $0x2000, $0x38;
	[tilespmem:$0x8100] =	vst v63  }
0x47: {  	_ =	swait.ge [sflag:s14], $0x2000  }
0x48: {  	[sflag:s14] =	ssyncset.done $0x0  }
0x49: {  	[sflag:s14] =	ssyncadd.s32 $0xFFFFE000  }
0x4a: {  	[hbm4b:s16+s3] =	stream.linear.scatter [tilespmem:s10], [sflag:$0x3], $0x2000, $0x38;
	[tilespmem:$0x8100] =	vst v63  }
0x4b: {  	_ =	swait.ge [sflag:s14], $0x2000  }
0x4c: {  	[sflag:s14] =	ssyncset.done $0x0  }
0x4d: {  	[sflag:s14] =	ssyncadd.s32 $0xFFFFE000  }
0x4e: {  	[hbm4b:s17+s3] =	stream.linear.scatter [tilespmem:s11], [sflag:$0x3], $0x2000, $0x38;
	[tilespmem:$0x8100] =	vst v63  }
0x4f: {  	_ =	swait.ge [sflag:s14], $0x2000  }
0x50: {  	[sflag:s14] =	ssyncset.done $0x0  }
0x51: {  	[sflag:s14] =	ssyncadd.s32 $0xFFFFE000  }
0x52: {  	[hbm4b:s19+s3] =	stream.linear.scatter [tilespmem:s13], [sflag:$0x3], $0x2000, $0x38;
	[tilespmem:$0x8100] =	vst v63  }
0x53: {  	_ =	swait.ge [sflag:s18], $0x2000  }
0x54: {  	[sflag:s18] =	ssyncset.done $0x0  }
0x55: {  	[sflag:s18] =	ssyncadd.s32 $0xFFFFE000  }
0x56: {  	_ =	swait.ge [sflag:s18], $0x2000  }
0x57: {  	[sflag:s18] =	ssyncset.done $0x0  }
0x58: {  	[sflag:s18] =	ssyncadd.s32 $0xFFFFE000  }
.Ltmp1:
0x59: {  	_ =	swait.ge [sflag:s18], $0x2000;
	(pc) =	sbr.rel @p0 .LBB2_1-.Ltmp1, $4  }
0x5a: {  	[sflag:s18] =	ssyncset.done $0x0  }
0x5b: {  	[sflag:s18] =	ssyncadd.s32 $0xFFFFE000  }
0x5c: {  	_ =	swait.ge [sflag:s18], $0x2000  }
0x5d: {  	[sflag:s18] =	ssyncset.done $0x0  }
.LBB2_2:
0x5e: {  	[sflag:s18] =	ssyncadd.s32 $0xFFFFE000  }
0x5f: {  	_ =	sfence.sel $0x180000  }
0x60: {  	[bflag:$0x0] =	sbarrier.arrive $0xFFFF  }
0x61: {  	p0 =	sne.s32 s0, $0x0;
	_ =	strace $0x90000047  }
0x62: {  	s0 =	sadd.s32 @!p0 $0x100000, s1;
	[bflag:$0x2] =	sbarrier.arrive $0xFFFF  }
0x63: {  	[sflag:s0] =	ssyncadd.tile.s32 @!p0 $0x1;
	_ =	shalt  }
.Lfunc_end2:
_tile_overlayer_lowered:
.L_overlay_start_2:
0x64: {  	(tag) =	ssettag $0x2  }
0x65: {  	s0 =	rddreg [dreg:$0x0];
	s2 =	stileid.u32  }
0x66: {  	s1 =	rddreg [dreg:$0x1];
	p0 =	sne.s32 s2, $0x0  }
0x67: {  	s3 =	rddreg [dreg:$0x2];
	[bflag:$0x3] =	sbarrier.arrive $0xFFFF;
	s2 =	simm.s32 @!p0 $0x1C04  }
0x68: {  	[timem:s3], [sflag:s2] =	dma.local @!p0 [hbm:s0], s1  }
0x69: {  	s0 =	simm.s32 @!p0 $0x4  }
0x6a: {  	_ =	swait.ge @!p0 [sflag:s0], s1  }
0x6b: {  	s1 =	ssub.s32 @!p0 $0x0, s1;
	[sflag:s0] =	ssyncset.done @!p0 $0x0  }
0x6c: {  	[sflag:s0] =	ssyncadd.s32 @!p0 s1  }
0x6d: {  	[bflag:$0x3] =	sbarrier.arrive $0xFFFF  }
0x6e: {  	_ =	shalt  }

</sc_bundles>
